<compile_context>
chip_gen: v7x
topology: tpu7x:2x2x1
jax: 0.10.2.dev20260603
libtpu: 0.0.44.dev20260713+nightly
codegen_flags: <defaults>
</compile_context>

<pallas_src>
import jax
import jax.numpy as jnp
from jax import lax
from jax.experimental import pallas as pl
from jax.experimental.pallas import tpu as pltpu
from jax.experimental.pallas import tpu_sc as plsc

B = 16384
D = 64
H = 64
NC = 2
NS = 16
NW = NC * NS
BPW = B // NW
CHUNK = 128
NCH = BPW // CHUNK

TBLK = 8192
NTS = 62
NPAIR = NTS * TBLK


def _transpose_body(lo_ref, hi_ref, o_ref):
    eye = jnp.eye(D, dtype=jnp.float32)
    dnT = (((0,), (0,)), ((), ()))
    o_ref[:, :D] = lax.dot_general(lo_ref[...], eye, dnT,
                                   preferred_element_type=jnp.float32)
    o_ref[:, D:] = lax.dot_general(hi_ref[...], eye, dnT,
                                   preferred_element_type=jnp.float32)


def _pair_transpose(tT):
    return pl.pallas_call(
        _transpose_body,
        grid=(NTS,),
        in_specs=[pl.BlockSpec((D, TBLK), lambda i: (0, i)),
                  pl.BlockSpec((D, TBLK),
                               lambda i: (0, jnp.minimum(i + NTS, 121)))],
        out_specs=pl.BlockSpec((TBLK, 2 * D), lambda i: (i, 0)),
        out_shape=jax.ShapeDtypeStruct((NPAIR, 2 * D), jnp.float32),
    )(tT, tT)


def _gather_body(u_tbl, i_tbl, u_idx, i_idx, u_out, i_out,
                 idx_v, rows_v, sem):
    wid = lax.axis_index("s") * NC + lax.axis_index("c")
    base = wid * BPW

    pltpu.sync_copy(u_idx.at[pl.ds(base, BPW)], idx_v)
    copies = [
        pltpu.async_copy(u_tbl.at[idx_v.at[pl.ds(c * CHUNK, CHUNK)]],
                         rows_v.at[pl.ds(c * CHUNK, CHUNK)], sem)
        for c in range(NCH)
    ]
    for cp in copies:
        cp.wait()
    pltpu.sync_copy(rows_v, u_out.at[pl.ds(base, BPW)])

    pltpu.sync_copy(i_idx.at[pl.ds(base, BPW)], idx_v)
    copies = [
        pltpu.async_copy(i_tbl.at[idx_v.at[pl.ds(c * CHUNK, CHUNK)]],
                         rows_v.at[pl.ds(c * CHUNK, CHUNK)], sem)
        for c in range(NCH)
    ]
    for cp in copies:
        cp.wait()
    pltpu.sync_copy(rows_v, i_out.at[pl.ds(base, BPW)])


def _sc_gather(user_pairs, item_pairs, user_idx, item_idx):
    mesh = plsc.VectorSubcoreMesh(core_axis_name="c", subcore_axis_name="s")
    kern = pl.kernel(
        _gather_body,
        out_type=[jax.ShapeDtypeStruct((B, 2 * D), jnp.float32),
                  jax.ShapeDtypeStruct((B, 2 * D), jnp.float32)],
        mesh=mesh,
        scratch_types=[
            pltpu.VMEM((BPW,), jnp.int32),
            pltpu.VMEM((BPW, 2 * D), jnp.float32),
            pltpu.SemaphoreType.DMA,
        ],
    )
    return kern(user_pairs, item_pairs, user_idx, item_idx)


def _mlp_body(gu_ref, gi_ref, pu_ref, pi_ref, w1_ref, b1_ref, w2_ref, b2_ref,
              o_ref):
    ones_row = jnp.ones((1, D), jnp.float32)
    dn0 = (((0,), (0,)), ((), ()))
    pu = lax.dot_general(pu_ref[...], ones_row, dn0,
                         preferred_element_type=jnp.float32)
    pi = lax.dot_general(pi_ref[...], ones_row, dn0,
                         preferred_element_type=jnp.float32)
    gu = gu_ref[...]
    gi = gi_ref[...]
    uv = gu[:, :D] + pu * (gu[:, D:] - gu[:, :D])
    iv = gi[:, :D] + pi * (gi[:, D:] - gi[:, :D])
    w1 = w1_ref[...]
    dn1 = (((1,), (1,)), ((), ()))
    h = lax.dot_general(uv, w1[:, :D], dn1,
                        preferred_element_type=jnp.float32,
                        precision=lax.Precision.HIGHEST)
    h = h + lax.dot_general(iv, w1[:, D:], dn1,
                            preferred_element_type=jnp.float32,
                            precision=lax.Precision.HIGHEST)
    h = jnp.maximum(h + b1_ref[...], 0.0)
    o = jnp.sum(h * w2_ref[...], axis=1, keepdims=True)
    o_ref[...] = jax.nn.sigmoid(o + b2_ref[0, 0])


def kernel(user_indices, item_indices, user_table, item_table, W1, b1, W2, b2):
    u32 = user_indices.astype(jnp.int32)
    i32 = item_indices.astype(jnp.int32)
    up = _pair_transpose(user_table.T)
    ip = _pair_transpose(item_table.T)
    u_hi = (u32 >= NPAIR).astype(jnp.int32)
    i_hi = (i32 >= NPAIR).astype(jnp.int32)
    gu, gi = _sc_gather(up, ip, u32 - u_hi * NPAIR, i32 - i_hi * NPAIR)
    pu = u_hi.astype(jnp.float32).reshape(1, B)
    pi = i_hi.astype(jnp.float32).reshape(1, B)
    blk = 1024
    out = pl.pallas_call(
        _mlp_body,
        grid=(B // blk,),
        in_specs=[
            pl.BlockSpec((blk, 2 * D), lambda i: (i, 0)),
            pl.BlockSpec((blk, 2 * D), lambda i: (i, 0)),
            pl.BlockSpec((1, blk), lambda i: (0, i)),
            pl.BlockSpec((1, blk), lambda i: (0, i)),
            pl.BlockSpec((H, 2 * D), lambda i: (0, 0)),
            pl.BlockSpec((1, H), lambda i: (0, 0)),
            pl.BlockSpec((1, H), lambda i: (0, 0)),
            pl.BlockSpec((1, 1), lambda i: (0, 0)),
        ],
        out_specs=pl.BlockSpec((blk, 1), lambda i: (i, 0)),
        out_shape=jax.ShapeDtypeStruct((B, 1), jnp.float32),
    )(gu, gi, pu, pi, W1, b1.reshape(1, H), W2, b2.reshape(1, 1))
    return out.reshape(B)

# --- scband reference (transcript-rebuilt; emitter-appended) ---
"""Pipeline reference for scband-recommender-model-8701603742067 (READ-ONLY COPY).

The authoritative reference and input builder live on the scoring server;
editing this copy changes nothing except your own understanding.
"""

import jax, jax.numpy as jnp
import numpy as np

NUM_USERS = 1000000
NUM_ITEMS = 1000000
EMBED_DIM = 64
BATCH = 16384
HIDDEN = 64


def setup_inputs(seed: int = 0) -> dict:
    key = jax.random.key(seed)
    k_u, k_i, k_ue, k_ie, k_w1, k_b1, k_w2, k_b2 = jax.random.split(key, 8)
    user_indices = jax.random.randint(k_u, (BATCH,), 0, NUM_USERS, dtype=jnp.int64 if jax.config.jax_enable_x64 else jnp.int32)
    item_indices = jax.random.randint(k_i, (BATCH,), 0, NUM_ITEMS, dtype=jnp.int64 if jax.config.jax_enable_x64 else jnp.int32)
    user_table = jax.random.normal(k_ue, (NUM_USERS, EMBED_DIM), dtype=jnp.float32)
    item_table = jax.random.normal(k_ie, (NUM_ITEMS, EMBED_DIM), dtype=jnp.float32)
    # fc1: Linear(embedding_dim*2 -> 64); torch stores weight as [out, in]
    W1 = jax.random.normal(k_w1, (HIDDEN, EMBED_DIM * 2), dtype=jnp.float32) * (1.0 / np.sqrt(EMBED_DIM * 2))
    b1 = jax.random.normal(k_b1, (HIDDEN,), dtype=jnp.float32) * 0.01
    # fc2: Linear(64 -> 1)
    W2 = jax.random.normal(k_w2, (1, HIDDEN), dtype=jnp.float32) * (1.0 / np.sqrt(HIDDEN))
    b2 = jax.random.normal(k_b2, (1,), dtype=jnp.float32) * 0.01
    return {
        'user_indices': user_indices,
        'item_indices': item_indices,
        'user_table': user_table,
        'item_table': item_table,
        'W1': W1,
        'b1': b1,
        'W2': W2,
        'b2': b2,
    }


def reference(user_indices, item_indices, user_table, item_table, W1, b1, W2, b2):
    user_vecs = jnp.take(user_table, user_indices, axis=0)   # [B, D]
    item_vecs = jnp.take(item_table, item_indices, axis=0)   # [B, D]
    x = jnp.concatenate([user_vecs, item_vecs], axis=1)       # [B, 2D]
    x = jax.nn.relu(x @ W1.T + b1)                             # [B, 64]
    x = jax.nn.sigmoid(x @ W2.T + b2)                          # [B, 1]
    return jnp.squeeze(x, axis=-1)                             # [B]

if __name__ == "__main__":
    import jax
    _d = setup_inputs()
    print(jax.jit(kernel)(*tuple(_d.values())))

</pallas_src>

<mosaic_0001>
#map = affine_map<(d0, d1) -> (0, 0)>
#map1 = affine_map<(d0, d1) -> (0)>
module attributes {stable_mosaic.version = 14 : i64} {
  func.func @_gather_body(%arg0: i32, %arg1: i32, %arg2: memref<507904x128xf32, #tpu.memory_space<hbm>>, %arg3: memref<507904x128xf32, #tpu.memory_space<hbm>>, %arg4: memref<16384xi32, #tpu.memory_space<hbm>>, %arg5: memref<16384xi32, #tpu.memory_space<hbm>>, %arg6: memref<16384x128xf32, #tpu.memory_space<hbm>>, %arg7: memref<16384x128xf32, #tpu.memory_space<hbm>>, %arg8: memref<512xi32, #tpu.memory_space<vmem>>, %arg9: memref<512x128xf32, #tpu.memory_space<vmem>>, %arg10: memref<!tpu.dma_semaphore, #tpu.memory_space<semaphore_mem>>) attributes {dimension_semantics = [#tpu.dimension_semantics<core_parallel>, #tpu.dimension_semantics<subcore_parallel>], iteration_bounds = array<i64: 2, 16>, scalar_prefetch = 0 : i64, scratch_operands = 3 : i64, tpu.core_type = #tpu.core_type<sc_vector_subcore>, window_params = [{transform_indices = #map}, {transform_indices = #map}, {transform_indices = #map1}, {transform_indices = #map1}, {transform_indices = #map}, {transform_indices = #map}]} {
    %mul3A = arith.constant 2 : i32
    %mul3A_0 = arith.muli %arg1, %mul3A : i32
    %add3A = arith.addi %mul3A_0, %arg0 : i32
    %mul3A_1 = arith.constant 512 : i32
    %mul3A_2 = arith.muli %add3A, %mul3A_1 : i32
    "tpu.region"() ({
      %run_scoped3A = tpu.sem_alloc : memref<!tpu.dma_semaphore, #tpu.memory_space<semaphore_mem>>
      %dma_start3A_129 = tpu.memref_slice %arg4[%mul3A_2] : memref<16384xi32, #tpu.memory_space<hbm>> -> memref<512xi32, #tpu.memory_space<hbm>>
      %dma_start3A_130 = tpu.memref_slice %arg4[%mul3A_2] : memref<16384xi32, #tpu.memory_space<hbm>> -> memref<512xi32, #tpu.memory_space<hbm>>
      tpu.enqueue_dma source(%dma_start3A_130 : memref<512xi32, #tpu.memory_space<hbm>>) target(%arg8 : memref<512xi32, #tpu.memory_space<vmem>>) target_semaphore(%run_scoped3A : memref<!tpu.dma_semaphore, #tpu.memory_space<semaphore_mem>>)
      %dma_wait3A_131 = tpu.memref_slice %arg4[%mul3A_2] : memref<16384xi32, #tpu.memory_space<hbm>> -> memref<512xi32, #tpu.memory_space<hbm>>
      %dma_wait3A_132 = tpu.memref_slice %arg4[%mul3A_2] : memref<16384xi32, #tpu.memory_space<hbm>> -> memref<512xi32, #tpu.memory_space<hbm>>
      tpu.wait_dma2 semaphore(%run_scoped3A : memref<!tpu.dma_semaphore, #tpu.memory_space<semaphore_mem>>) src(%dma_wait3A_132 : memref<512xi32, #tpu.memory_space<hbm>>) dst(%arg8 : memref<512xi32, #tpu.memory_space<vmem>>)
      tpu.yield
    }) : () -> ()
    %dma_start3A = arith.constant 0 : i32
    %dma_start3A_3 = arith.constant 0 : i32
    %dma_start3A_4 = tpu.memref_slice %arg9[%dma_start3A, %dma_start3A_3] : memref<512x128xf32, #tpu.memory_space<vmem>> -> memref<128x128xf32, #tpu.memory_space<vmem>>
    %dma_start3A_5 = arith.constant 0 : i32
    %dma_start3A_6 = tpu.memref_slice %arg8[%dma_start3A_5] : memref<512xi32, #tpu.memory_space<vmem>> -> memref<128xi32, #tpu.memory_space<vmem>>
    %dma_start3A_7 = arith.constant 0 : i32
    %dma_start3A_8 = arith.constant 0 : i32
    %dma_start3A_9 = tpu.memref_slice %arg2[%dma_start3A_7, %dma_start3A_8] : memref<507904x128xf32, #tpu.memory_space<hbm>> -> memref<507904x128xf32, #tpu.memory_space<hbm>>
    tpu.enqueue_indirect_dma source(%dma_start3A_9 : memref<507904x128xf32, #tpu.memory_space<hbm>>) target(%dma_start3A_4 : memref<128x128xf32, #tpu.memory_space<vmem>>) offsets(%dma_start3A_6 : memref<128xi32, #tpu.memory_space<vmem>>) semaphore(%arg10 : memref<!tpu.dma_semaphore, #tpu.memory_space<semaphore_mem>>)
    %dma_start3A_10 = arith.constant 128 : i32
    %dma_start3A_11 = arith.constant 0 : i32
    %dma_start3A_12 = tpu.memref_slice %arg9[%dma_start3A_10, %dma_start3A_11] : memref<512x128xf32, #tpu.memory_space<vmem>> -> memref<128x128xf32, #tpu.memory_space<vmem>>
    %dma_start3A_13 = arith.constant 128 : i32
    %dma_start3A_14 = tpu.memref_slice %arg8[%dma_start3A_13] : memref<512xi32, #tpu.memory_space<vmem>> -> memref<128xi32, #tpu.memory_space<vmem>>
    %dma_start3A_15 = arith.constant 0 : i32
    %dma_start3A_16 = arith.constant 0 : i32
    %dma_start3A_17 = tpu.memref_slice %arg2[%dma_start3A_15, %dma_start3A_16] : memref<507904x128xf32, #tpu.memory_space<hbm>> -> memref<507904x128xf32, #tpu.memory_space<hbm>>
    tpu.enqueue_indirect_dma source(%dma_start3A_17 : memref<507904x128xf32, #tpu.memory_space<hbm>>) target(%dma_start3A_12 : memref<128x128xf32, #tpu.memory_space<vmem>>) offsets(%dma_start3A_14 : memref<128xi32, #tpu.memory_space<vmem>>) semaphore(%arg10 : memref<!tpu.dma_semaphore, #tpu.memory_space<semaphore_mem>>)
    %dma_start3A_18 = arith.constant 256 : i32
    %dma_start3A_19 = arith.constant 0 : i32
    %dma_start3A_20 = tpu.memref_slice %arg9[%dma_start3A_18, %dma_start3A_19] : memref<512x128xf32, #tpu.memory_space<vmem>> -> memref<128x128xf32, #tpu.memory_space<vmem>>
    %dma_start3A_21 = arith.constant 256 : i32
    %dma_start3A_22 = tpu.memref_slice %arg8[%dma_start3A_21] : memref<512xi32, #tpu.memory_space<vmem>> -> memref<128xi32, #tpu.memory_space<vmem>>
    %dma_start3A_23 = arith.constant 0 : i32
    %dma_start3A_24 = arith.constant 0 : i32
    %dma_start3A_25 = tpu.memref_slice %arg2[%dma_start3A_23, %dma_start3A_24] : memref<507904x128xf32, #tpu.memory_space<hbm>> -> memref<507904x128xf32, #tpu.memory_space<hbm>>
    tpu.enqueue_indirect_dma source(%dma_start3A_25 : memref<507904x128xf32, #tpu.memory_space<hbm>>) target(%dma_start3A_20 : memref<128x128xf32, #tpu.memory_space<vmem>>) offsets(%dma_start3A_22 : memref<128xi32, #tpu.memory_space<vmem>>) semaphore(%arg10 : memref<!tpu.dma_semaphore, #tpu.memory_space<semaphore_mem>>)
    %dma_start3A_26 = arith.constant 384 : i32
    %dma_start3A_27 = arith.constant 0 : i32
    %dma_start3A_28 = tpu.memref_slice %arg9[%dma_start3A_26, %dma_start3A_27] : memref<512x128xf32, #tpu.memory_space<vmem>> -> memref<128x128xf32, #tpu.memory_space<vmem>>
    %dma_start3A_29 = arith.constant 384 : i32
    %dma_start3A_30 = tpu.memref_slice %arg8[%dma_start3A_29] : memref<512xi32, #tpu.memory_space<vmem>> -> memref<128xi32, #tpu.memory_space<vmem>>
    %dma_start3A_31 = arith.constant 0 : i32
    %dma_start3A_32 = arith.constant 0 : i32
    %dma_start3A_33 = tpu.memref_slice %arg2[%dma_start3A_31, %dma_start3A_32] : memref<507904x128xf32, #tpu.memory_space<hbm>> -> memref<507904x128xf32, #tpu.memory_space<hbm>>
    tpu.enqueue_indirect_dma source(%dma_start3A_33 : memref<507904x128xf32, #tpu.memory_space<hbm>>) target(%dma_start3A_28 : memref<128x128xf32, #tpu.memory_space<vmem>>) offsets(%dma_start3A_30 : memref<128xi32, #tpu.memory_space<vmem>>) semaphore(%arg10 : memref<!tpu.dma_semaphore, #tpu.memory_space<semaphore_mem>>)
    %dma_wait3A = arith.constant 0 : i32
    %dma_wait3A_34 = arith.constant 0 : i32
    %dma_wait3A_35 = tpu.memref_slice %arg9[%dma_wait3A, %dma_wait3A_34] : memref<512x128xf32, #tpu.memory_space<vmem>> -> memref<128x128xf32, #tpu.memory_space<vmem>>
    %dma_wait3A_36 = arith.constant 0 : i32
    %dma_wait3A_37 = tpu.memref_slice %arg8[%dma_wait3A_36] : memref<512xi32, #tpu.memory_space<vmem>> -> memref<128xi32, #tpu.memory_space<vmem>>
    %dma_wait3A_38 = arith.constant 0 : i32
    %dma_wait3A_39 = arith.constant 0 : i32
    %dma_wait3A_40 = tpu.memref_slice %arg2[%dma_wait3A_38, %dma_wait3A_39] : memref<507904x128xf32, #tpu.memory_space<hbm>> -> memref<507904x128xf32, #tpu.memory_space<hbm>>
    tpu.wait_indirect_dma semaphore(%arg10 : memref<!tpu.dma_semaphore, #tpu.memory_space<semaphore_mem>>) src(%dma_wait3A_40 : memref<507904x128xf32, #tpu.memory_space<hbm>>) dst(%dma_wait3A_35 : memref<128x128xf32, #tpu.memory_space<vmem>>)
    %dma_wait3A_41 = arith.constant 128 : i32
    %dma_wait3A_42 = arith.constant 0 : i32
    %dma_wait3A_43 = tpu.memref_slice %arg9[%dma_wait3A_41, %dma_wait3A_42] : memref<512x128xf32, #tpu.memory_space<vmem>> -> memref<128x128xf32, #tpu.memory_space<vmem>>
    %dma_wait3A_44 = arith.constant 128 : i32
    %dma_wait3A_45 = tpu.memref_slice %arg8[%dma_wait3A_44] : memref<512xi32, #tpu.memory_space<vmem>> -> memref<128xi32, #tpu.memory_space<vmem>>
    %dma_wait3A_46 = arith.constant 0 : i32
    %dma_wait3A_47 = arith.constant 0 : i32
    %dma_wait3A_48 = tpu.memref_slice %arg2[%dma_wait3A_46, %dma_wait3A_47] : memref<507904x128xf32, #tpu.memory_space<hbm>> -> memref<507904x128xf32, #tpu.memory_space<hbm>>
    tpu.wait_indirect_dma semaphore(%arg10 : memref<!tpu.dma_semaphore, #tpu.memory_space<semaphore_mem>>) src(%dma_wait3A_48 : memref<507904x128xf32, #tpu.memory_space<hbm>>) dst(%dma_wait3A_43 : memref<128x128xf32, #tpu.memory_space<vmem>>)
    %dma_wait3A_49 = arith.constant 256 : i32
    %dma_wait3A_50 = arith.constant 0 : i32
    %dma_wait3A_51 = tpu.memref_slice %arg9[%dma_wait3A_49, %dma_wait3A_50] : memref<512x128xf32, #tpu.memory_space<vmem>> -> memref<128x128xf32, #tpu.memory_space<vmem>>
    %dma_wait3A_52 = arith.constant 256 : i32
    %dma_wait3A_53 = tpu.memref_slice %arg8[%dma_wait3A_52] : memref<512xi32, #tpu.memory_space<vmem>> -> memref<128xi32, #tpu.memory_space<vmem>>
    %dma_wait3A_54 = arith.constant 0 : i32
    %dma_wait3A_55 = arith.constant 0 : i32
    %dma_wait3A_56 = tpu.memref_slice %arg2[%dma_wait3A_54, %dma_wait3A_55] : memref<507904x128xf32, #tpu.memory_space<hbm>> -> memref<507904x128xf32, #tpu.memory_space<hbm>>
    tpu.wait_indirect_dma semaphore(%arg10 : memref<!tpu.dma_semaphore, #tpu.memory_space<semaphore_mem>>) src(%dma_wait3A_56 : memref<507904x128xf32, #tpu.memory_space<hbm>>) dst(%dma_wait3A_51 : memref<128x128xf32, #tpu.memory_space<vmem>>)
    %dma_wait3A_57 = arith.constant 384 : i32
    %dma_wait3A_58 = arith.constant 0 : i32
    %dma_wait3A_59 = tpu.memref_slice %arg9[%dma_wait3A_57, %dma_wait3A_58] : memref<512x128xf32, #tpu.memory_space<vmem>> -> memref<128x128xf32, #tpu.memory_space<vmem>>
    %dma_wait3A_60 = arith.constant 384 : i32
    %dma_wait3A_61 = tpu.memref_slice %arg8[%dma_wait3A_60] : memref<512xi32, #tpu.memory_space<vmem>> -> memref<128xi32, #tpu.memory_space<vmem>>
    %dma_wait3A_62 = arith.constant 0 : i32
    %dma_wait3A_63 = arith.constant 0 : i32
    %dma_wait3A_64 = tpu.memref_slice %arg2[%dma_wait3A_62, %dma_wait3A_63] : memref<507904x128xf32, #tpu.memory_space<hbm>> -> memref<507904x128xf32, #tpu.memory_space<hbm>>
    tpu.wait_indirect_dma semaphore(%arg10 : memref<!tpu.dma_semaphore, #tpu.memory_space<semaphore_mem>>) src(%dma_wait3A_64 : memref<507904x128xf32, #tpu.memory_space<hbm>>) dst(%dma_wait3A_59 : memref<128x128xf32, #tpu.memory_space<vmem>>)
    "tpu.region"() ({
      %run_scoped3A = tpu.sem_alloc : memref<!tpu.dma_semaphore, #tpu.memory_space<semaphore_mem>>
      %dma_start3A_129 = arith.constant 0 : i32
      %dma_start3A_130 = tpu.memref_slice %arg6[%mul3A_2, %dma_start3A_129] : memref<16384x128xf32, #tpu.memory_space<hbm>> -> memref<512x128xf32, #tpu.memory_space<hbm>>
      %dma_start3A_131 = arith.constant 0 : i32
      %dma_start3A_132 = tpu.memref_slice %arg6[%mul3A_2, %dma_start3A_131] : memref<16384x128xf32, #tpu.memory_space<hbm>> -> memref<512x128xf32, #tpu.memory_space<hbm>>
      tpu.enqueue_dma source(%arg9 : memref<512x128xf32, #tpu.memory_space<vmem>>) target(%dma_start3A_132 : memref<512x128xf32, #tpu.memory_space<hbm>>) target_semaphore(%run_scoped3A : memref<!tpu.dma_semaphore, #tpu.memory_space<semaphore_mem>>)
      %dma_wait3A_133 = arith.constant 0 : i32
      %dma_wait3A_134 = tpu.memref_slice %arg6[%mul3A_2, %dma_wait3A_133] : memref<16384x128xf32, #tpu.memory_space<hbm>> -> memref<512x128xf32, #tpu.memory_space<hbm>>
      %dma_wait3A_135 = arith.constant 0 : i32
      %dma_wait3A_136 = tpu.memref_slice %arg6[%mul3A_2, %dma_wait3A_135] : memref<16384x128xf32, #tpu.memory_space<hbm>> -> memref<512x128xf32, #tpu.memory_space<hbm>>
      tpu.wait_dma2 semaphore(%run_scoped3A : memref<!tpu.dma_semaphore, #tpu.memory_space<semaphore_mem>>) src(%arg9 : memref<512x128xf32, #tpu.memory_space<vmem>>) dst(%dma_wait3A_136 : memref<512x128xf32, #tpu.memory_space<hbm>>)
      tpu.yield
    }) : () -> ()
    "tpu.region"() ({
      %run_scoped3A = tpu.sem_alloc : memref<!tpu.dma_semaphore, #tpu.memory_space<semaphore_mem>>
      %dma_start3A_129 = tpu.memref_slice %arg5[%mul3A_2] : memref<16384xi32, #tpu.memory_space<hbm>> -> memref<512xi32, #tpu.memory_space<hbm>>
      %dma_start3A_130 = tpu.memref_slice %arg5[%mul3A_2] : memref<16384xi32, #tpu.memory_space<hbm>> -> memref<512xi32, #tpu.memory_space<hbm>>
      tpu.enqueue_dma source(%dma_start3A_130 : memref<512xi32, #tpu.memory_space<hbm>>) target(%arg8 : memref<512xi32, #tpu.memory_space<vmem>>) target_semaphore(%run_scoped3A : memref<!tpu.dma_semaphore, #tpu.memory_space<semaphore_mem>>)
      %dma_wait3A_131 = tpu.memref_slice %arg5[%mul3A_2] : memref<16384xi32, #tpu.memory_space<hbm>> -> memref<512xi32, #tpu.memory_space<hbm>>
      %dma_wait3A_132 = tpu.memref_slice %arg5[%mul3A_2] : memref<16384xi32, #tpu.memory_space<hbm>> -> memref<512xi32, #tpu.memory_space<hbm>>
      tpu.wait_dma2 semaphore(%run_scoped3A : memref<!tpu.dma_semaphore, #tpu.memory_space<semaphore_mem>>) src(%dma_wait3A_132 : memref<512xi32, #tpu.memory_space<hbm>>) dst(%arg8 : memref<512xi32, #tpu.memory_space<vmem>>)
      tpu.yield
    }) : () -> ()
    %dma_start3A_65 = arith.constant 0 : i32
    %dma_start3A_66 = arith.constant 0 : i32
    %dma_start3A_67 = tpu.memref_slice %arg9[%dma_start3A_65, %dma_start3A_66] : memref<512x128xf32, #tpu.memory_space<vmem>> -> memref<128x128xf32, #tpu.memory_space<vmem>>
    %dma_start3A_68 = arith.constant 0 : i32
    %dma_start3A_69 = tpu.memref_slice %arg8[%dma_start3A_68] : memref<512xi32, #tpu.memory_space<vmem>> -> memref<128xi32, #tpu.memory_space<vmem>>
    %dma_start3A_70 = arith.constant 0 : i32
    %dma_start3A_71 = arith.constant 0 : i32
    %dma_start3A_72 = tpu.memref_slice %arg3[%dma_start3A_70, %dma_start3A_71] : memref<507904x128xf32, #tpu.memory_space<hbm>> -> memref<507904x128xf32, #tpu.memory_space<hbm>>
    tpu.enqueue_indirect_dma source(%dma_start3A_72 : memref<507904x128xf32, #tpu.memory_space<hbm>>) target(%dma_start3A_67 : memref<128x128xf32, #tpu.memory_space<vmem>>) offsets(%dma_start3A_69 : memref<128xi32, #tpu.memory_space<vmem>>) semaphore(%arg10 : memref<!tpu.dma_semaphore, #tpu.memory_space<semaphore_mem>>)
    %dma_start3A_73 = arith.constant 128 : i32
    %dma_start3A_74 = arith.constant 0 : i32
    %dma_start3A_75 = tpu.memref_slice %arg9[%dma_start3A_73, %dma_start3A_74] : memref<512x128xf32, #tpu.memory_space<vmem>> -> memref<128x128xf32, #tpu.memory_space<vmem>>
    %dma_start3A_76 = arith.constant 128 : i32
    %dma_start3A_77 = tpu.memref_slice %arg8[%dma_start3A_76] : memref<512xi32, #tpu.memory_space<vmem>> -> memref<128xi32, #tpu.memory_space<vmem>>
    %dma_start3A_78 = arith.constant 0 : i32
    %dma_start3A_79 = arith.constant 0 : i32
    %dma_start3A_80 = tpu.memref_slice %arg3[%dma_start3A_78, %dma_start3A_79] : memref<507904x128xf32, #tpu.memory_space<hbm>> -> memref<507904x128xf32, #tpu.memory_space<hbm>>
    tpu.enqueue_indirect_dma source(%dma_start3A_80 : memref<507904x128xf32, #tpu.memory_space<hbm>>) target(%dma_start3A_75 : memref<128x128xf32, #tpu.memory_space<vmem>>) offsets(%dma_start3A_77 : memref<128xi32, #tpu.memory_space<vmem>>) semaphore(%arg10 : memref<!tpu.dma_semaphore, #tpu.memory_space<semaphore_mem>>)
    %dma_start3A_81 = arith.constant 256 : i32
    %dma_start3A_82 = arith.constant 0 : i32
    %dma_start3A_83 = tpu.memref_slice %arg9[%dma_start3A_81, %dma_start3A_82] : memref<512x128xf32, #tpu.memory_space<vmem>> -> memref<128x128xf32, #tpu.memory_space<vmem>>
    %dma_start3A_84 = arith.constant 256 : i32
    %dma_start3A_85 = tpu.memref_slice %arg8[%dma_start3A_84] : memref<512xi32, #tpu.memory_space<vmem>> -> memref<128xi32, #tpu.memory_space<vmem>>
    %dma_start3A_86 = arith.constant 0 : i32
    %dma_start3A_87 = arith.constant 0 : i32
    %dma_start3A_88 = tpu.memref_slice %arg3[%dma_start3A_86, %dma_start3A_87] : memref<507904x128xf32, #tpu.memory_space<hbm>> -> memref<507904x128xf32, #tpu.memory_space<hbm>>
    tpu.enqueue_indirect_dma source(%dma_start3A_88 : memref<507904x128xf32, #tpu.memory_space<hbm>>) target(%dma_start3A_83 : memref<128x128xf32, #tpu.memory_space<vmem>>) offsets(%dma_start3A_85 : memref<128xi32, #tpu.memory_space<vmem>>) semaphore(%arg10 : memref<!tpu.dma_semaphore, #tpu.memory_space<semaphore_mem>>)
    %dma_start3A_89 = arith.constant 384 : i32
    %dma_start3A_90 = arith.constant 0 : i32
    %dma_start3A_91 = tpu.memref_slice %arg9[%dma_start3A_89, %dma_start3A_90] : memref<512x128xf32, #tpu.memory_space<vmem>> -> memref<128x128xf32, #tpu.memory_space<vmem>>
    %dma_start3A_92 = arith.constant 384 : i32
    %dma_start3A_93 = tpu.memref_slice %arg8[%dma_start3A_92] : memref<512xi32, #tpu.memory_space<vmem>> -> memref<128xi32, #tpu.memory_space<vmem>>
    %dma_start3A_94 = arith.constant 0 : i32
    %dma_start3A_95 = arith.constant 0 : i32
    %dma_start3A_96 = tpu.memref_slice %arg3[%dma_start3A_94, %dma_start3A_95] : memref<507904x128xf32, #tpu.memory_space<hbm>> -> memref<507904x128xf32, #tpu.memory_space<hbm>>
    tpu.enqueue_indirect_dma source(%dma_start3A_96 : memref<507904x128xf32, #tpu.memory_space<hbm>>) target(%dma_start3A_91 : memref<128x128xf32, #tpu.memory_space<vmem>>) offsets(%dma_start3A_93 : memref<128xi32, #tpu.memory_space<vmem>>) semaphore(%arg10 : memref<!tpu.dma_semaphore, #tpu.memory_space<semaphore_mem>>)
    %dma_wait3A_97 = arith.constant 0 : i32
    %dma_wait3A_98 = arith.constant 0 : i32
    %dma_wait3A_99 = tpu.memref_slice %arg9[%dma_wait3A_97, %dma_wait3A_98] : memref<512x128xf32, #tpu.memory_space<vmem>> -> memref<128x128xf32, #tpu.memory_space<vmem>>
    %dma_wait3A_100 = arith.constant 0 : i32
    %dma_wait3A_101 = tpu.memref_slice %arg8[%dma_wait3A_100] : memref<512xi32, #tpu.memory_space<vmem>> -> memref<128xi32, #tpu.memory_space<vmem>>
    %dma_wait3A_102 = arith.constant 0 : i32
    %dma_wait3A_103 = arith.constant 0 : i32
    %dma_wait3A_104 = tpu.memref_slice %arg3[%dma_wait3A_102, %dma_wait3A_103] : memref<507904x128xf32, #tpu.memory_space<hbm>> -> memref<507904x128xf32, #tpu.memory_space<hbm>>
    tpu.wait_indirect_dma semaphore(%arg10 : memref<!tpu.dma_semaphore, #tpu.memory_space<semaphore_mem>>) src(%dma_wait3A_104 : memref<507904x128xf32, #tpu.memory_space<hbm>>) dst(%dma_wait3A_99 : memref<128x128xf32, #tpu.memory_space<vmem>>)
    %dma_wait3A_105 = arith.constant 128 : i32
    %dma_wait3A_106 = arith.constant 0 : i32
    %dma_wait3A_107 = tpu.memref_slice %arg9[%dma_wait3A_105, %dma_wait3A_106] : memref<512x128xf32, #tpu.memory_space<vmem>> -> memref<128x128xf32, #tpu.memory_space<vmem>>
    %dma_wait3A_108 = arith.constant 128 : i32
    %dma_wait3A_109 = tpu.memref_slice %arg8[%dma_wait3A_108] : memref<512xi32, #tpu.memory_space<vmem>> -> memref<128xi32, #tpu.memory_space<vmem>>
    %dma_wait3A_110 = arith.constant 0 : i32
    %dma_wait3A_111 = arith.constant 0 : i32
    %dma_wait3A_112 = tpu.memref_slice %arg3[%dma_wait3A_110, %dma_wait3A_111] : memref<507904x128xf32, #tpu.memory_space<hbm>> -> memref<507904x128xf32, #tpu.memory_space<hbm>>
    tpu.wait_indirect_dma semaphore(%arg10 : memref<!tpu.dma_semaphore, #tpu.memory_space<semaphore_mem>>) src(%dma_wait3A_112 : memref<507904x128xf32, #tpu.memory_space<hbm>>) dst(%dma_wait3A_107 : memref<128x128xf32, #tpu.memory_space<vmem>>)
    %dma_wait3A_113 = arith.constant 256 : i32
    %dma_wait3A_114 = arith.constant 0 : i32
    %dma_wait3A_115 = tpu.memref_slice %arg9[%dma_wait3A_113, %dma_wait3A_114] : memref<512x128xf32, #tpu.memory_space<vmem>> -> memref<128x128xf32, #tpu.memory_space<vmem>>
    %dma_wait3A_116 = arith.constant 256 : i32
    %dma_wait3A_117 = tpu.memref_slice %arg8[%dma_wait3A_116] : memref<512xi32, #tpu.memory_space<vmem>> -> memref<128xi32, #tpu.memory_space<vmem>>
    %dma_wait3A_118 = arith.constant 0 : i32
    %dma_wait3A_119 = arith.constant 0 : i32
    %dma_wait3A_120 = tpu.memref_slice %arg3[%dma_wait3A_118, %dma_wait3A_119] : memref<507904x128xf32, #tpu.memory_space<hbm>> -> memref<507904x128xf32, #tpu.memory_space<hbm>>
    tpu.wait_indirect_dma semaphore(%arg10 : memref<!tpu.dma_semaphore, #tpu.memory_space<semaphore_mem>>) src(%dma_wait3A_120 : memref<507904x128xf32, #tpu.memory_space<hbm>>) dst(%dma_wait3A_115 : memref<128x128xf32, #tpu.memory_space<vmem>>)
    %dma_wait3A_121 = arith.constant 384 : i32
    %dma_wait3A_122 = arith.constant 0 : i32
    %dma_wait3A_123 = tpu.memref_slice %arg9[%dma_wait3A_121, %dma_wait3A_122] : memref<512x128xf32, #tpu.memory_space<vmem>> -> memref<128x128xf32, #tpu.memory_space<vmem>>
    %dma_wait3A_124 = arith.constant 384 : i32
    %dma_wait3A_125 = tpu.memref_slice %arg8[%dma_wait3A_124] : memref<512xi32, #tpu.memory_space<vmem>> -> memref<128xi32, #tpu.memory_space<vmem>>
    %dma_wait3A_126 = arith.constant 0 : i32
    %dma_wait3A_127 = arith.constant 0 : i32
    %dma_wait3A_128 = tpu.memref_slice %arg3[%dma_wait3A_126, %dma_wait3A_127] : memref<507904x128xf32, #tpu.memory_space<hbm>> -> memref<507904x128xf32, #tpu.memory_space<hbm>>
    tpu.wait_indirect_dma semaphore(%arg10 : memref<!tpu.dma_semaphore, #tpu.memory_space<semaphore_mem>>) src(%dma_wait3A_128 : memref<507904x128xf32, #tpu.memory_space<hbm>>) dst(%dma_wait3A_123 : memref<128x128xf32, #tpu.memory_space<vmem>>)
    "tpu.region"() ({
      %run_scoped3A = tpu.sem_alloc : memref<!tpu.dma_semaphore, #tpu.memory_space<semaphore_mem>>
      %dma_start3A_129 = arith.constant 0 : i32
      %dma_start3A_130 = tpu.memref_slice %arg7[%mul3A_2, %dma_start3A_129] : memref<16384x128xf32, #tpu.memory_space<hbm>> -> memref<512x128xf32, #tpu.memory_space<hbm>>
      %dma_start3A_131 = arith.constant 0 : i32
      %dma_start3A_132 = tpu.memref_slice %arg7[%mul3A_2, %dma_start3A_131] : memref<16384x128xf32, #tpu.memory_space<hbm>> -> memref<512x128xf32, #tpu.memory_space<hbm>>
      tpu.enqueue_dma source(%arg9 : memref<512x128xf32, #tpu.memory_space<vmem>>) target(%dma_start3A_132 : memref<512x128xf32, #tpu.memory_space<hbm>>) target_semaphore(%run_scoped3A : memref<!tpu.dma_semaphore, #tpu.memory_space<semaphore_mem>>)
      %dma_wait3A_133 = arith.constant 0 : i32
      %dma_wait3A_134 = tpu.memref_slice %arg7[%mul3A_2, %dma_wait3A_133] : memref<16384x128xf32, #tpu.memory_space<hbm>> -> memref<512x128xf32, #tpu.memory_space<hbm>>
      %dma_wait3A_135 = arith.constant 0 : i32
      %dma_wait3A_136 = tpu.memref_slice %arg7[%mul3A_2, %dma_wait3A_135] : memref<16384x128xf32, #tpu.memory_space<hbm>> -> memref<512x128xf32, #tpu.memory_space<hbm>>
      tpu.wait_dma2 semaphore(%run_scoped3A : memref<!tpu.dma_semaphore, #tpu.memory_space<semaphore_mem>>) src(%arg9 : memref<512x128xf32, #tpu.memory_space<vmem>>) dst(%dma_wait3A_136 : memref<512x128xf32, #tpu.memory_space<hbm>>)
      tpu.yield
    }) : () -> ()
    return
  }
}

module attributes {stable_mosaic.version = 14 : i64} {
  func.func @_mlp_body(%arg0: i32, %arg1: memref<1024x128xf32, #tpu.memory_space<vmem>>, %arg2: memref<1024x128xf32, #tpu.memory_space<vmem>>, %arg3: memref<1x1024xf32, #tpu.memory_space<vmem>>, %arg4: memref<1x1024xf32, #tpu.memory_space<vmem>>, %arg5: memref<64x128xf32, #tpu.memory_space<vmem>>, %arg6: memref<1x64xf32, #tpu.memory_space<vmem>>, %arg7: memref<1x64xf32, #tpu.memory_space<vmem>>, %arg8: memref<1x1xf32, #tpu.memory_space<vmem>>, %arg9: memref<1024x1xf32, #tpu.memory_space<vmem>>) attributes {dimension_semantics = [#tpu.dimension_semantics<arbitrary>], iteration_bounds = array<i64: 16>, scalar_prefetch = 0 : i64, scratch_operands = 0 : i64, tpu.core_type = #tpu.core_type<tc>, window_params = [{transform_indices = @transform_0, window_bounds = array<i64: 1024, 128>}, {transform_indices = @transform_1, window_bounds = array<i64: 1024, 128>}, {transform_indices = @transform_2, window_bounds = array<i64: 1, 1024>}, {transform_indices = @transform_3, window_bounds = array<i64: 1, 1024>}, {pipeline_mode = #tpu.pipeline_mode<synchronous>, transform_indices = @transform_4, window_bounds = array<i64: 64, 128>}, {pipeline_mode = #tpu.pipeline_mode<synchronous>, transform_indices = @transform_5, window_bounds = array<i64: 1, 64>}, {pipeline_mode = #tpu.pipeline_mode<synchronous>, transform_indices = @transform_6, window_bounds = array<i64: 1, 64>}, {pipeline_mode = #tpu.pipeline_mode<synchronous>, transform_indices = @transform_7, window_bounds = array<i64: 1, 1>}, {transform_indices = @transform_8, window_bounds = array<i64: 1024, 1>}]} {
    %broadcast_in_dim3A = arith.constant 1.000000e+00 : f32
    %broadcast_in_dim3A_0 = vector.broadcast %broadcast_in_dim3A : f32 to vector<1x64xf32>
    %get3A = arith.constant 0 : index
    %get3A_1 = arith.constant 0 : index
    %get3A_2 = vector.load %arg3[%get3A, %get3A_1] : memref<1x1024xf32, #tpu.memory_space<vmem>>, vector<1x1024xf32>
    %dot_general3A = arith.constant dense<0.000000e+00> : vector<1024x64xf32>
    %dot_general3A_3 = tpu.matmul %get3A_2, %broadcast_in_dim3A_0, %dot_general3A {dimension_numbers = #tpu.dot_dimension_numbers<[0], [0], [1], [1], [0, 1, 1, 1], [], []>, transpose_lhs_hint = false} : vector<1x1024xf32>, vector<1x64xf32>, vector<1024x64xf32> -> vector<1024x64xf32>
    %get3A_4 = arith.constant 0 : index
    %get3A_5 = arith.constant 0 : index
    %get3A_6 = vector.load %arg4[%get3A_4, %get3A_5] : memref<1x1024xf32, #tpu.memory_space<vmem>>, vector<1x1024xf32>
    %dot_general3A_7 = arith.constant dense<0.000000e+00> : vector<1024x64xf32>
    %dot_general3A_8 = tpu.matmul %get3A_6, %broadcast_in_dim3A_0, %dot_general3A_7 {dimension_numbers = #tpu.dot_dimension_numbers<[0], [0], [1], [1], [0, 1, 1, 1], [], []>, transpose_lhs_hint = false} : vector<1x1024xf32>, vector<1x64xf32>, vector<1024x64xf32> -> vector<1024x64xf32>
    %get3A_9 = arith.constant 0 : index
    %get3A_10 = arith.constant 0 : index
    %get3A_11 = vector.load %arg1[%get3A_9, %get3A_10] : memref<1024x128xf32, #tpu.memory_space<vmem>>, vector<1024x128xf32>
    %get3A_12 = arith.constant 0 : index
    %get3A_13 = arith.constant 0 : index
    %get3A_14 = vector.load %arg2[%get3A_12, %get3A_13] : memref<1024x128xf32, #tpu.memory_space<vmem>>, vector<1024x128xf32>
    %slice3A = vector.extract_strided_slice %get3A_11 {offsets = [0, 0], sizes = [1024, 64], strides = [1, 1]} : vector<1024x128xf32> to vector<1024x64xf32>
    %slice3A_15 = vector.extract_strided_slice %get3A_11 {offsets = [0, 64], sizes = [1024, 64], strides = [1, 1]} : vector<1024x128xf32> to vector<1024x64xf32>
    %slice3A_16 = vector.extract_strided_slice %get3A_11 {offsets = [0, 0], sizes = [1024, 64], strides = [1, 1]} : vector<1024x128xf32> to vector<1024x64xf32>
    %sub3A = arith.subf %slice3A_15, %slice3A_16 : vector<1024x64xf32>
    %mul3A = arith.mulf %dot_general3A_3, %sub3A : vector<1024x64xf32>
    %add3A = arith.addf %slice3A, %mul3A : vector<1024x64xf32>
    %slice3A_17 = vector.extract_strided_slice %get3A_14 {offsets = [0, 0], sizes = [1024, 64], strides = [1, 1]} : vector<1024x128xf32> to vector<1024x64xf32>
    %slice3A_18 = vector.extract_strided_slice %get3A_14 {offsets = [0, 64], sizes = [1024, 64], strides = [1, 1]} : vector<1024x128xf32> to vector<1024x64xf32>
    %slice3A_19 = vector.extract_strided_slice %get3A_14 {offsets = [0, 0], sizes = [1024, 64], strides = [1, 1]} : vector<1024x128xf32> to vector<1024x64xf32>
    %sub3A_20 = arith.subf %slice3A_18, %slice3A_19 : vector<1024x64xf32>
    %mul3A_21 = arith.mulf %dot_general3A_8, %sub3A_20 : vector<1024x64xf32>
    %add3A_22 = arith.addf %slice3A_17, %mul3A_21 : vector<1024x64xf32>
    %get3A_23 = arith.constant 0 : index
    %get3A_24 = arith.constant 0 : index
    %get3A_25 = vector.load %arg5[%get3A_23, %get3A_24] : memref<64x128xf32, #tpu.memory_space<vmem>>, vector<64x128xf32>
    %slice3A_26 = vector.extract_strided_slice %get3A_25 {offsets = [0, 0], sizes = [64, 64], strides = [1, 1]} : vector<64x128xf32> to vector<64x64xf32>
    %dot_general3A_27 = arith.constant dense<0.000000e+00> : vector<1024x64xf32>
    %dot_general3A_28 = tpu.matmul %add3A, %slice3A_26, %dot_general3A_27 {dimension_numbers = #tpu.dot_dimension_numbers<[1], [1], [0], [0], [0, 0, 1, 0], [], []>, precision = #tpu.contract_precision<fp32>, transpose_lhs_hint = false} : vector<1024x64xf32>, vector<64x64xf32>, vector<1024x64xf32> -> vector<1024x64xf32>
    %slice3A_29 = vector.extract_strided_slice %get3A_25 {offsets = [0, 64], sizes = [64, 64], strides = [1, 1]} : vector<64x128xf32> to vector<64x64xf32>
    %dot_general3A_30 = arith.constant dense<0.000000e+00> : vector<1024x64xf32>
    %dot_general3A_31 = tpu.matmul %add3A_22, %slice3A_29, %dot_general3A_30 {dimension_numbers = #tpu.dot_dimension_numbers<[1], [1], [0], [0], [0, 0, 1, 0], [], []>, precision = #tpu.contract_precision<fp32>, transpose_lhs_hint = false} : vector<1024x64xf32>, vector<64x64xf32>, vector<1024x64xf32> -> vector<1024x64xf32>
    %add3A_32 = arith.addf %dot_general3A_28, %dot_general3A_31 : vector<1024x64xf32>
    %get3A_33 = arith.constant 0 : index
    %get3A_34 = arith.constant 0 : index
    %get3A_35 = vector.load %arg6[%get3A_33, %get3A_34] : memref<1x64xf32, #tpu.memory_space<vmem>>, vector<1x64xf32>
    %add3A_36 = vector.broadcast %get3A_35 : vector<1x64xf32> to vector<1024x64xf32>
    %add3A_37 = arith.addf %add3A_32, %add3A_36 : vector<1024x64xf32>
    %max3A = arith.constant 0.000000e+00 : f32
    %max3A_38 = vector.broadcast %max3A : f32 to vector<1024x64xf32>
    %max3A_39 = arith.maximumf %add3A_37, %max3A_38 : vector<1024x64xf32>
    %get3A_40 = arith.constant 0 : index
    %get3A_41 = arith.constant 0 : index
    %get3A_42 = vector.load %arg7[%get3A_40, %get3A_41] : memref<1x64xf32, #tpu.memory_space<vmem>>, vector<1x64xf32>
    %mul3A_43 = vector.broadcast %get3A_42 : vector<1x64xf32> to vector<1024x64xf32>
    %mul3A_44 = arith.mulf %max3A_39, %mul3A_43 : vector<1024x64xf32>
    %reduce_sum3A = arith.constant dense<0.000000e+00> : vector<1024xf32>
    %reduce_sum3A_45 = vector.multi_reduction <add>, %mul3A_44, %reduce_sum3A [1] : vector<1024x64xf32> to vector<1024xf32>
    %broadcast_in_dim3A_46 = vector.shape_cast %reduce_sum3A_45 : vector<1024xf32> to vector<1024x1xf32>
    %get3A_47 = arith.constant 0 : index
    %get3A_48 = arith.constant 0 : index
    %get3A_49 = vector.load %arg8[%get3A_47, %get3A_48] : memref<1x1xf32, #tpu.memory_space<vmem>>, vector<1x1xf32>
    %get3A_50 = vector.extract %get3A_49[0, 0] : f32 from vector<1x1xf32>
    %add3A_51 = vector.broadcast %get3A_50 : f32 to vector<1024x1xf32>
    %add3A_52 = arith.addf %broadcast_in_dim3A_46, %add3A_51 : vector<1024x1xf32>
    %logistic3A = arith.negf %add3A_52 : vector<1024x1xf32>
    %logistic3A_53 = math.exp %logistic3A : vector<1024x1xf32>
    %logistic3A_54 = arith.constant 1.000000e+00 : f32
    %logistic3A_55 = vector.broadcast %logistic3A_54 : f32 to vector<1024x1xf32>
    %logistic3A_56 = arith.addf %logistic3A_55, %logistic3A_53 : vector<1024x1xf32>
    %logistic3A_57 = arith.divf %logistic3A_55, %logistic3A_56 : vector<1024x1xf32>
    %swap3A = arith.constant 0 : index
    %swap3A_58 = arith.constant 0 : index
    %swap3A_59 = vector.load %arg9[%swap3A, %swap3A_58] : memref<1024x1xf32, #tpu.memory_space<vmem>>, vector<1024x1xf32>
    tpu.vector_store %arg9[%swap3A, %swap3A_58], %logistic3A_57 {strides = array<i32>} : memref<1024x1xf32, #tpu.memory_space<vmem>>, vector<1024x1xf32>,
    return
  }
  func.func @transform_0(%arg0: i32) -> (i32, i32) {
    %c0_i32 = arith.constant 0 : i32
    %c0_i32_0 = arith.constant 0 : i32
    return %arg0, %c0_i32 : i32, i32
  }
  func.func @transform_1(%arg0: i32) -> (i32, i32) {
    %c0_i32 = arith.constant 0 : i32
    %c0_i32_0 = arith.constant 0 : i32
    return %arg0, %c0_i32 : i32, i32
  }
  func.func @transform_2(%arg0: i32) -> (i32, i32) {
    %c0_i32 = arith.constant 0 : i32
    %c0_i32_0 = arith.constant 0 : i32
    return %c0_i32, %arg0 : i32, i32
  }
  func.func @transform_3(%arg0: i32) -> (i32, i32) {
    %c0_i32 = arith.constant 0 : i32
    %c0_i32_0 = arith.constant 0 : i32
    return %c0_i32, %arg0 : i32, i32
  }
  func.func @transform_4(%arg0: i32) -> (i32, i32) {
    %c0_i32 = arith.constant 0 : i32
    %c0_i32_0 = arith.constant 0 : i32
    %c0_i32_1 = arith.constant 0 : i32
    return %c0_i32, %c0_i32_0 : i32, i32
  }
  func.func @transform_5(%arg0: i32) -> (i32, i32) {
    %c0_i32 = arith.constant 0 : i32
    %c0_i32_0 = arith.constant 0 : i32
    %c0_i32_1 = arith.constant 0 : i32
    return %c0_i32, %c0_i32_0 : i32, i32
  }
  func.func @transform_6(%arg0: i32) -> (i32, i32) {
    %c0_i32 = arith.constant 0 : i32
    %c0_i32_0 = arith.constant 0 : i32
    %c0_i32_1 = arith.constant 0 : i32
    return %c0_i32, %c0_i32_0 : i32, i32
  }
  func.func @transform_7(%arg0: i32) -> (i32, i32) {
    %c0_i32 = arith.constant 0 : i32
    %c0_i32_0 = arith.constant 0 : i32
    %c0_i32_1 = arith.constant 0 : i32
    return %c0_i32, %c0_i32_0 : i32, i32
  }
  func.func @transform_8(%arg0: i32) -> (i32, i32) {
    %c0_i32 = arith.constant 0 : i32
    %c0_i32_0 = arith.constant 0 : i32
    return %arg0, %c0_i32 : i32, i32
  }
}

module attributes {stable_mosaic.version = 14 : i64} {
  func.func @_transpose_body(%arg0: i32, %arg1: memref<64x8192xf32, #tpu.memory_space<vmem>>, %arg2: memref<64x8192xf32, #tpu.memory_space<vmem>>, %arg3: memref<8192x128xf32, #tpu.memory_space<vmem>>) attributes {dimension_semantics = [#tpu.dimension_semantics<arbitrary>], iteration_bounds = array<i64: 62>, scalar_prefetch = 0 : i64, scratch_operands = 0 : i64, tpu.core_type = #tpu.core_type<tc>, window_params = [{transform_indices = @transform_0, window_bounds = array<i64: 64, 8192>}, {transform_indices = @transform_1, window_bounds = array<i64: 64, 8192>}, {transform_indices = @transform_2, window_bounds = array<i64: 8192, 128>}]} {
    %iota3A = tpu.iota {dimensions = array<i32: 0>} : vector<64x64xi32>
    %iota3A_0 = tpu.iota {dimensions = array<i32: 1>} : vector<64x64xi32>
    %add3A = arith.constant 0 : i32
    %add3A_1 = vector.broadcast %add3A : i32 to vector<64x64xi32>
    %add3A_2 = arith.addi %iota3A, %add3A_1 : vector<64x64xi32>
    %eq3A = arith.cmpi eq, %add3A_2, %iota3A_0 : vector<64x64xi32>
    %convert_element_type3A = arith.extui %eq3A : vector<64x64xi1> to vector<64x64xi32>
    %convert_element_type3A_3 = arith.sitofp %convert_element_type3A : vector<64x64xi32> to vector<64x64xf32>
    %get3A = arith.constant 0 : index
    %get3A_4 = arith.constant 0 : index
    %get3A_5 = vector.load %arg1[%get3A, %get3A_4] : memref<64x8192xf32, #tpu.memory_space<vmem>>, vector<64x8192xf32>
    %dot_general3A = arith.constant dense<0.000000e+00> : vector<8192x64xf32>
    %dot_general3A_6 = tpu.matmul %get3A_5, %convert_element_type3A_3, %dot_general3A {dimension_numbers = #tpu.dot_dimension_numbers<[0], [0], [1], [1], [0, 1, 1, 1], [], []>, transpose_lhs_hint = false} : vector<64x8192xf32>, vector<64x64xf32>, vector<8192x64xf32> -> vector<8192x64xf32>
    %swap3A = arith.constant 0 : index
    %swap3A_7 = arith.constant 0 : index
    %swap3A_8 = vector.load %arg3[%swap3A, %swap3A_7] : memref<8192x128xf32, #tpu.memory_space<vmem>>, vector<8192x64xf32>
    tpu.vector_store %arg3[%swap3A, %swap3A_7], %dot_general3A_6 {strides = array<i32>} : memref<8192x128xf32, #tpu.memory_space<vmem>>, vector<8192x64xf32>,
    %get3A_9 = arith.constant 0 : index
    %get3A_10 = arith.constant 0 : index
    %get3A_11 = vector.load %arg2[%get3A_9, %get3A_10] : memref<64x8192xf32, #tpu.memory_space<vmem>>, vector<64x8192xf32>
    %dot_general3A_12 = arith.constant dense<0.000000e+00> : vector<8192x64xf32>
    %dot_general3A_13 = tpu.matmul %get3A_11, %convert_element_type3A_3, %dot_general3A_12 {dimension_numbers = #tpu.dot_dimension_numbers<[0], [0], [1], [1], [0, 1, 1, 1], [], []>, transpose_lhs_hint = false} : vector<64x8192xf32>, vector<64x64xf32>, vector<8192x64xf32> -> vector<8192x64xf32>
    %swap3A_14 = arith.constant 0 : index
    %swap3A_15 = arith.constant 64 : index
    %swap3A_16 = vector.load %arg3[%swap3A_14, %swap3A_15] : memref<8192x128xf32, #tpu.memory_space<vmem>>, vector<8192x64xf32>
    tpu.vector_store %arg3[%swap3A_14, %swap3A_15], %dot_general3A_13 {strides = array<i32>} : memref<8192x128xf32, #tpu.memory_space<vmem>>, vector<8192x64xf32>,
    return
  }
  func.func @transform_0(%arg0: i32) -> (i32, i32) {
    %c0_i32 = arith.constant 0 : i32
    %c0_i32_0 = arith.constant 0 : i32
    return %c0_i32, %arg0 : i32, i32
  }
  func.func @transform_1(%arg0: i32) -> (i32, i32) {
    %add3A = arith.constant 62 : i32
    %add3A_0 = arith.addi %arg0, %add3A : i32
    %min3A = arith.constant 121 : i32
    %min3A_1 = arith.minsi %add3A_0, %min3A : i32
    %c0_i32 = arith.constant 0 : i32
    %c0_i32_2 = arith.constant 0 : i32
    return %c0_i32, %min3A_1 : i32, i32
  }
  func.func @transform_2(%arg0: i32) -> (i32, i32) {
    %c0_i32 = arith.constant 0 : i32
    %c0_i32_0 = arith.constant 0 : i32
    return %arg0, %c0_i32 : i32, i32
  }
}

</mosaic_0001>

<sc_bundles>
// kernel: kernel.6.cloned.1.call-start
scs
__scs_entry_jumppad:
0x0: {  	(pc) =	sbr.rel $0x88, $3  }
0x1: {  	(tag) =	ssettag $0x0;
	lr =	simm.s32 $0x1  }
0x2: {  	[smem:$0x3F99] =	sst lr;
	_ =	strace $0xD0000000  }
0x3: {  	_ = 	snop  }
0x4: {  	_ = 	snop  }
0x5: {  	_ = 	snop  }
0x6: {  	_ = 	snop  }
0x7: {  	_ = 	snop  }
__scs_overlays_trampoline_lowered:
0x8: {  	[smem:$0x3FA8] =	sst s0  }
0x9: {  	[smem:$0x3FA9] =	sst s1  }
0xa: {  	[smem:$0x3FAA] =	sst s2  }
0xb: {  	[smem:$0x3FAB] =	sst s3  }
0xc: {  	[smem:$0x3FAC] =	sst s4  }
0xd: {  	[smem:$0x3FAD] =	sst s5  }
0xe: {  	[smem:$0x3FAE] =	sst s6  }
0xf: {  	[smem:$0x3FAF] =	sst s7  }
0x10: {  	[smem:$0x3FB0] =	sst s8  }
0x11: {  	[smem:$0x3FB1] =	sst s9;
	s0 =	simm.s32 @!p0 $0x0  }
0x12: {  	s1 =	sld [smem:$0x3F97];
	s0 =	simm.s32 @p0 $0x1  }
0x13: {  	[smem:$0x3FB2] =	sst s0;
	s0 =	simm.s32 @!p1 $0x0  }
0x14: {  	s2 =	sld [smem:$0x3F96];
	s0 =	simm.s32 @p1 $0x1  }
0x15: {  	[smem:$0x3FB3] =	sst s0;
	s0 =	simm.s32 @!p2 $0x0  }
0x16: {  	s3 =	sld [smem:$0x3FDB];
	s0 =	simm.s32 @p2 $0x1  }
0x17: {  	s4 =	simm.s32 $0x1BF5;
	[smem:$0x3FB5] =	sst s0  }
0x18: {  	s0 =	sld [smem:$0x3F98];
	_ =	swait.ge [sflag:s4], $0x0  }
0x19: {  	s7 =	sld [smem:$0x3F99]  }
0x1a: {  	s8 =	sadd.s32 $0xFFFFE003, lr  }
0x1b: {  	s9 =	sadd.s32 $0xFFFFFEF7, lr;
	s5 =	simm.s32 $0xFFFFFFFF;
	p2 =	slt.u32 s8, $0xFFFFF086  }
0x1c: {  	p1 =	slt.u32 s9, $0xF7A;
	s5 =	simm.s32 @!p2 $0x0  }
0x1d: {  	s5 =	simm.s32 @p1 $0x1;
	p0 =	seq.s32 s7, s2  }
0x1e: {  	s7 =	smul.u32 @!p0 $0xF7A, s2;
	p2 =	seq.s32 @!p0 s5, $0x0  }
0x1f: {  	s9 =	smul.u32 $0xF7A, s1;
	s8 =	simm.s32 @!p0 $0x1BF5;
	p2 =	por !p2, p0  }
0x20: {  	[sflag:s8] =	ssyncset.s32 @!p0 $0xFFFFF086;
	s6 =	sadd.s32 @!p0 s3, s7;
	s7 =	simm.s32 @!p0 $0x108  }
0x21: {  	s3 =	sadd.s32 s3, s9;
	s6 =	sadd.s32 @!p0 $0x88, s6;
	s7 =	simm.s32 @p2 $0x1082  }
0x22: {  	[simem:s7], [sflag:s8] =	dma.local @!p0 [hbm:s6], $0xF7A  }
0x23: {  	s9 =	sor.u32 $0xD0000000, s2;
	s6 =	simm.s32 $0x108;
	_ =	swait.ge @!p0 [sflag:s8], $0x0  }
0x24: {  	s3 =	sadd.s32 $0x88, s3;
	s6 =	simm.s32 @!p1 $0x1082;
	[sflag:s4] =	ssyncset.s32 $0xFFFFF086  }
0x25: {  	[simem:s6], [sflag:s4] =	dma.local [hbm:s3], $0xF7A  }
0x26: {  	[smem:$0x3F99] =	sst s1;
	(tag) =	ssettag s2;
	_ =	strace s9  }
0x27: {  	s1 =	sld [smem:$0x3FA9]  }
0x28: {  	s2 =	sld [smem:$0x3FAA]  }
0x29: {  	s4 =	sld [smem:$0x3FAC]  }
0x2a: {  	p0 =	seq.s32 s5, $0x0;
	s5 =	sld [smem:$0x3FAD]  }
0x2b: {  	s6 =	sld [smem:$0x3FAE]  }
0x2c: {  	s7 =	sld [smem:$0x3FAF]  }
0x2d: {  	s3 =	simm.s32 $0x108;
	s8 =	sld [smem:$0x3FB0]  }
0x2e: {  	s3 =	simm.s32 @!p0 $0x1082;
	s9 =	sld [smem:$0x3FB1]  }
0x2f: {  	lr =	sadd.s32 s0, s3;
	s0 =	sld [smem:$0x3FA8]  }
0x30: {  	s3 =	sld [smem:$0x3FAB]  }
0x31: {  	[smem:$0x3FB4] =	sst s10  }
0x32: {  	s10 =	sld [smem:$0x3FB2];
	_ =	sdelay $0x3  }
0x33: {  	p0 =	seq.s32 s10, $0x1;
	s10 =	sld [smem:$0x3FB4];
	_ =	sdelay $0x3  }
0x34: {  	[smem:$0x3FB4] =	sst s10  }
0x35: {  	s10 =	sld [smem:$0x3FB3];
	_ =	sdelay $0x3  }
0x36: {  	p1 =	seq.s32 s10, $0x1;
	s10 =	sld [smem:$0x3FB4];
	_ =	sdelay $0x3  }
0x37: {  	[smem:$0x3FB4] =	sst s10  }
0x38: {  	s10 =	sld [smem:$0x3FB5]  }
0x39: {  	_ = 	snop;
	(pc) =	sbr.ind lr, $3  }
0x3a: {  	_ = 	snop  }
0x3b: {  	_ = 	snop  }
0x3c: {  	p2 =	seq.s32 s10, $0x1;
	s10 =	sld [smem:$0x3FB4]  }
0x3d: {  	_ =	shalt  }
0x3e: {  	_ =	shalt  }
0x3f: {  	_ =	shalt  }
0x40: {  	_ =	shalt  }
0x41: {  	_ =	shalt  }
0x42: {  	_ =	shalt  }
0x43: {  	_ =	shalt  }
0x44: {  	_ =	shalt  }
0x45: {  	_ =	shalt  }
0x46: {  	_ =	shalt  }
0x47: {  	_ =	shalt  }
0x48: {  	_ =	shalt  }
0x49: {  	_ =	shalt  }
0x4a: {  	_ =	shalt  }
0x4b: {  	_ =	shalt  }
0x4c: {  	_ =	shalt  }
0x4d: {  	_ =	shalt  }
0x4e: {  	_ =	shalt  }
0x4f: {  	_ =	shalt  }
0x50: {  	_ =	shalt  }
0x51: {  	_ =	shalt  }
0x52: {  	_ =	shalt  }
0x53: {  	_ =	shalt  }
0x54: {  	_ =	shalt  }
0x55: {  	_ =	shalt  }
0x56: {  	_ =	shalt  }
0x57: {  	_ =	shalt  }
0x58: {  	_ =	shalt  }
0x59: {  	_ =	shalt  }
0x5a: {  	_ =	shalt  }
0x5b: {  	_ =	shalt  }
0x5c: {  	_ =	shalt  }
0x5d: {  	_ =	shalt  }
0x5e: {  	_ =	shalt  }
0x5f: {  	_ =	shalt  }
0x60: {  	_ =	shalt  }
0x61: {  	_ =	shalt  }
0x62: {  	_ =	shalt  }
0x63: {  	_ =	shalt  }
0x64: {  	_ =	shalt  }
0x65: {  	_ =	shalt  }
0x66: {  	_ =	shalt  }
0x67: {  	_ =	shalt  }
0x68: {  	_ =	shalt  }
0x69: {  	_ =	shalt  }
0x6a: {  	_ =	shalt  }
0x6b: {  	_ =	shalt  }
0x6c: {  	_ =	shalt  }
0x6d: {  	_ =	shalt  }
0x6e: {  	_ =	shalt  }
0x6f: {  	_ =	shalt  }
0x70: {  	_ =	shalt  }
0x71: {  	_ =	shalt  }
0x72: {  	_ =	shalt  }
0x73: {  	_ =	shalt  }
0x74: {  	_ =	shalt  }
0x75: {  	_ =	shalt  }
0x76: {  	_ =	shalt  }
0x77: {  	_ =	shalt  }
0x78: {  	_ =	shalt  }
0x79: {  	_ =	shalt  }
0x7a: {  	_ =	shalt  }
0x7b: {  	_ =	shalt  }
0x7c: {  	_ =	shalt  }
0x7d: {  	_ =	shalt  }
0x7e: {  	_ =	shalt  }
0x7f: {  	_ =	shalt  }
0x80: {  	_ =	shalt  }
0x81: {  	_ =	shalt  }
0x82: {  	_ =	shalt  }
0x83: {  	_ =	shalt  }
0x84: {  	_ =	shalt  }
0x85: {  	_ =	shalt  }
0x86: {  	_ =	shalt  }
0x87: {  	_ =	shalt  }
.Lfunc_end0:
.L_simem_size_0:
called_computation_lowered:
.L_overlay_start_0:
0x88: {  	s2 =	sld [smem:$0x3FD9]  }
0x89: {  	s3 =	sld [smem:$0x3FFE];
	_ =	sdelay $0x1  }
0x8a: {  	s1 =	srdreg.scid  }
0x8b: {  	s0 =	sand.u32 $0x1, s1  }
0x8c: {  	s17 =	sshll.u32 s0, $0xA;
	s2 =	sadd.s32 s3, s2  }
0x8d: {  	s2 =	sadd.s32 s2, s17  }
0x8e: {  	[smem:$0x3FC0] =	sst s2  }
0x8f: {  	_ = 	snop  }
0x90: {  	s2 =	sld [smem:$0x3FD0];
	(tm) =	ssettm $0x1  }
0x91: {  	s18 =	sld [smem:$0x3FFB];
	_ =	sdelay $0x3  }
0x92: {  	_ =	strace s18  }
0x93: {  	s3 =	sld [smem:$0x3FFC];
	_ =	sdelay $0x3  }
0x94: {  	_ =	strace s3  }
0x95: {  	s3 =	sld [smem:$0x3FFD];
	_ =	sdelay $0x3  }
0x96: {  	_ =	strace s3  }
0x97: {  	_ =	strace $0x8FFFFFFF  }
0x98: {  	s19 =	sld [smem:$0x3FDB];
	_ =	sdelay $0x1  }
0x99: {  	s4 =	simm.s32 $_scs_section_size  }
0x9a: {  	s5 =	simm.s32 $_size__tile_overlayer_lowered;
	s6 =	simm.s32 $_tile_overlayer_lowered  }
0x9b: {  	s22 =	simm.s32 $0x1BFF;
	s21 =	sshll.u32 s6, $0x1;
	s3 =	sadd.s32 s4, s19  }
0x9c: {  	s7 =	simm.s32 $0x0;
	s20 =	sshll.u32 s5, $0x1;
	s5 =	sadd.s32 s21, s3  }
0x9d: {  	[timem:s7], [sflag:s22] =	dma.local [hbm:s5], s20  }
0x9e: {  	_ =	swait.ge [sflag:s22], s20  }
0x9f: {  	s4 =	ssub.s32 $0x0, s20;
	[sflag:s22] =	ssyncset.done $0x0  }
0xa0: {  	[sflag:s22] =	ssyncadd.s32 s4;
	_ =	sdelay $0x1  }
0xa1: {  	s23 =	simm.s32 $0x1B8B  }
0xa2: {  	_ =	swait.ge [sflag:s23], $0x1  }
0xa3: {  	[sflag:s23] =	ssyncset.done $0x0  }
0xa4: {  	s25 =	simm.s32 $0x1B8E;
	s24 =	sld [smem:$0x3FFE];
	[sflag:s23] =	ssyncadd.s32 $0xFFFFFFFF  }
0xa5: {  	s26 =	simm.s32 $execute0_lowered;
	[smem:$0x3FD2] =	sst s25  }
0xa6: {  	s5 =	sshll.u32 s26, $0x1;
	_ =	strace $0x80000046;
	[dreg:$0x1] =	wrdreg $0xFFFFFFFF  }
0xa7: {  	s28 =	simm.s32 $_size_execute0_lowered;
	s3 =	sadd.s32 s3, s5;
	[dreg:$0x0] =	wrdreg $0x0  }
0xa8: {  	s5 =	sshll.u32 s28, $0x1;
	[dreg:$0x2] =	wrdreg s3  }
0xa9: {  	[dreg:$0x3] =	wrdreg s5  }
0xaa: {  	[dreg:$0x4] =	wrdreg $0xC0  }
0xab: {  	_ =	task [dreg:s7], $0x5FFFF  }
0xac: {  	[dreg:$0x1] =	wrdreg $0xFFFFFFFF  }
0xad: {  	[dreg:$0x0] =	wrdreg $0x60  }
0xae: {  	[dreg:$0x2] =	wrdreg s24  }
0xaf: {  	[dreg:$0x3] =	wrdreg s2  }
0xb0: {  	[dreg:$0x4] =	wrdreg $0x9  }
0xb1: {  	_ =	task.clear_ibuf [dreg:s7], $0x5FFFF;
	_ =	strace $0x90000046  }
0xb2: {  	s29 =	simm.s32 $0x9;
	_ =	strace $0x80000048  }
0xb3: {  	_ =	swait.ge [sflag:s29], $0x1  }
0xb4: {  	[sflag:s29] =	ssyncadd.s32 $0xFFFFFFFF  }
0xb5: {  	_ =	strace $0x90000048  }
0xb6: {  	_ =	sfence  }
0xb7: {  	s30 =	sld [smem:$0x0];
	_ =	sdelay $0x2  }
0xb8: {  	s31 =	sshll.u32 s1, $0xD;
	s1 =	sshrl.u32 s1, $0x2  }
0xb9: {  	s3 =	sand.u32 $0x4000, s31;
	s1 =	sadd.s32 s1, s30  }
0xba: {  	s0 =	sor.u32 s3, s0;
	s1 =	sshll.u32 s1, $0x11  }
0xbb: {  	s0 =	sor.u32 s1, s0  }
0xbc: {  	s0 =	sadd.s32 $0x8F2B, s0  }
0xbd: {  	[sflag:s0] =	ssyncadd.remote.s32 $0x1  }
0xbe: {  	_ =	sfence.sel $0xFFFF  }
0xbf: {  	[dreg:$0x0] =	wrdreg $0xFFFFFFFF;
	(pc) =	sbr.abs _section_cstart, $3  }
0xc0: {  	[dreg:$0x1] =	wrdreg $0xFFFFFFFF  }
0xc1: {  	_ =	task.clear_ibuf [dreg:s7], $0x2FFFF;
	_ =	strace $0x9FFFFFFF  }
0xc2: {  	(tm) =	ssettm $0x7FFFFFFF  }
0xc3: {  	_ =	shalt  }
tec
execute0_lowered:
.L_overlay_start_1:
0x0: {  	(tag) =	ssettag $0x1  }
0x1: {  	s1 =	srdreg.scid  }
0x2: {  	s0 =	stileid.u32;
	s17 =	sand.u32 $0x1, s1  }
0x3: {  	s16 =	rddreg [dreg:$0x0];
	s30 =	sshll.u32 s0, $0xA;
	s2 =	sshll.u32 s17, $0x9  }
0x4: {  	s15 =	rddreg [dreg:$0x1];
	s14 =	sor.u32 s2, s30  }
0x5: {  	s1 =	rddreg [dreg:$0x2];
	s2 =	simm.s32 $0x0;
	s18 =	sshrl.u32 s14, $0x3  }
0x6: {  	[smem:$0x7FF] =	sst s2;
	s3 =	sadd.s32 s18, s16  }
0x7: {  	_ =	strace $0x80000047;
	s4 =	sadd.s32 $0xF81600, s3;
	s3 =	simm.s32 $0x2  }
0x8: {  	[tilespmem:s2], [sflag:$0x2] =	stream.linear.gather [hbm4b:s4+s2], $0x200, $0x38;
	[tilespmem:$0x10200] =	vst v63  }
0x9: {  	_ =	swait.ge [sflag:s3], $0x200  }
0xa: {  	s6 =	simm.s32 $0x80;
	[sflag:s3] =	ssyncset.done $0x0  }
0xb: {  	s7 =	simm.s32 $0x200;
	s5 =	sadd.s32 $0x1600, s16;
	[sflag:s3] =	ssyncadd.s32 $0xFFFFFE00  }
0xc: {  	[tilespmem:s7], [sflag:$0x1] =	stream.indirect.gather [hbm4b:s5+s6], $0x80, s2, s6, $0xb8;
	[tilespmem:$0x10200] =	vst v63  }
0xd: {  	s8 =	simm.s32 $0x4200  }
0xe: {  	[tilespmem:s8], [sflag:$0x1] =	stream.indirect.gather [hbm4b:s5+s6], $0x80, s6, s6, $0xb8;
	[tilespmem:$0x10200] =	vst v63  }
0xf: {  	s9 =	simm.s32 $0x100;
	s10 =	simm.s32 $0x8200  }
0x10: {  	[tilespmem:s10], [sflag:$0x1] =	stream.indirect.gather [hbm4b:s5+s6], $0x80, s9, s6, $0xb8;
	[tilespmem:$0x10200] =	vst v63  }
0x11: {  	s11 =	simm.s32 $0x180;
	s12 =	simm.s32 $0xC200;
	s13 =	simm.s32 $0x1  }
0x12: {  	[tilespmem:s12], [sflag:$0x1] =	stream.indirect.gather [hbm4b:s5+s6], $0x80, s11, s6, $0xb8;
	[tilespmem:$0x10200] =	vst v63  }
0x13: {  	_ =	swait.ge [sflag:s13], $0x4000  }
0x14: {  	[sflag:s13] =	ssyncset.done $0x0  }
0x15: {  	[sflag:s13] =	ssyncadd.s32 $0xFFFFC000  }
0x16: {  	_ =	swait.ge [sflag:s13], $0x4000  }
0x17: {  	[sflag:s13] =	ssyncset.done $0x0  }
0x18: {  	[sflag:s13] =	ssyncadd.s32 $0xFFFFC000  }
0x19: {  	_ =	swait.ge [sflag:s13], $0x4000  }
0x1a: {  	[sflag:s13] =	ssyncset.done $0x0  }
0x1b: {  	[sflag:s13] =	ssyncadd.s32 $0xFFFFC000  }
0x1c: {  	s14 =	sshll.u32 s14, $0x4;
	_ =	swait.ge [sflag:s13], $0x4000  }
0x1d: {  	s19 =	sadd.s32 s14, s16;
	[sflag:s13] =	ssyncset.done $0x0  }
0x1e: {  	s14 =	sadd.s32 $0xF81E00, s19;
	[sflag:s13] =	ssyncadd.s32 $0xFFFFC000  }
0x1f: {  	[hbm4b:s14+s2] =	stream.linear.scatter [tilespmem:s7], [sflag:$0x2], $0x10000, $0x38;
	[tilespmem:$0x10200] =	vst v63  }
0x20: {  	_ =	swait.ge [sflag:s3], $0x10000  }
0x21: {  	[sflag:s3] =	ssyncset.done $0x0  }
0x22: {  	s15 =	sadd.s32 s15, s18;
	[sflag:s3] =	ssyncadd.s32 $0xFFFF0000  }
0x23: {  	[tilespmem:s2], [sflag:$0x2] =	stream.linear.gather [hbm4b:s15+s2], $0x200, $0x38;
	[tilespmem:$0x10200] =	vst v63  }
0x24: {  	_ =	swait.ge [sflag:s3], $0x200  }
0x25: {  	[sflag:s3] =	ssyncset.done $0x0  }
0x26: {  	s16 =	sadd.s32 $0x7C1600, s16;
	[sflag:s3] =	ssyncadd.s32 $0xFFFFFE00  }
0x27: {  	[tilespmem:s7], [sflag:$0x1] =	stream.indirect.gather [hbm4b:s16+s6], $0x80, s2, s6, $0xb8;
	[tilespmem:$0x10200] =	vst v63  }
0x28: {  	_ = 	snop  }
0x29: {  	[tilespmem:s8], [sflag:$0x1] =	stream.indirect.gather [hbm4b:s16+s6], $0x80, s6, s6, $0xb8;
	[tilespmem:$0x10200] =	vst v63  }
0x2a: {  	_ = 	snop  }
0x2b: {  	[tilespmem:s10], [sflag:$0x1] =	stream.indirect.gather [hbm4b:s16+s6], $0x80, s9, s6, $0xb8;
	[tilespmem:$0x10200] =	vst v63  }
0x2c: {  	_ = 	snop  }
0x2d: {  	[tilespmem:s12], [sflag:$0x1] =	stream.indirect.gather [hbm4b:s16+s6], $0x80, s11, s6, $0xb8;
	[tilespmem:$0x10200] =	vst v63  }
0x2e: {  	_ =	swait.ge [sflag:s13], $0x4000  }
0x2f: {  	[sflag:s13] =	ssyncset.done $0x0  }
0x30: {  	[sflag:s13] =	ssyncadd.s32 $0xFFFFC000  }
0x31: {  	_ =	swait.ge [sflag:s13], $0x4000  }
0x32: {  	[sflag:s13] =	ssyncset.done $0x0  }
0x33: {  	s17 =	ssub.s32 $0x2, s17;
	[sflag:s13] =	ssyncadd.s32 $0xFFFFC000  }
0x34: {  	s31 =	sshrl.u32 s17, $0x1;
	_ =	swait.ge [sflag:s13], $0x4000  }
0x35: {  	s18 =	ssub.s32 s17, s31;
	[sflag:s13] =	ssyncset.done $0x0  }
0x36: {  	s18 =	smax.u32 s18, $0x1;
	[sflag:s13] =	ssyncadd.s32 $0xFFFFC000  }
0x37: {  	p0 =	sne.s32 s18, $0x1;
	_ =	swait.ge [sflag:s13], $0x4000  }
.Ltmp0:
0x38: {  	[sflag:s13] =	ssyncset.done $0x0;
	(pc) =	sbr.rel @!p0 .LBB2_2-.Ltmp0, $4  }
0x39: {  	s17 =	sadd.s32 $0xFC1E00, s19;
	[sflag:s13] =	ssyncadd.s32 $0xFFFFC000  }
0x3a: {  	[hbm4b:s17+s2] =	stream.linear.scatter [tilespmem:s7], [sflag:$0x2], $0x10000, $0x38;
	[tilespmem:$0x10200] =	vst v63  }
0x3b: {  	_ =	swait.ge [sflag:s3], $0x10000  }
0x3c: {  	s18 =	sadd.s32 $0xFFFFFFFF, s18;
	[sflag:s3] =	ssyncset.done $0x0  }
.LBB2_1:
0x3d: {  	p0 =	sne.s32 s18, $0x1;
	s18 =	sadd.s32 $0xFFFFFFFF, s18;
	[sflag:s3] =	ssyncadd.s32 $0xFFFF0000  }
0x3e: {  	[tilespmem:s2], [sflag:$0x2] =	stream.linear.gather [hbm4b:s4+s2], $0x200, $0x38;
	[tilespmem:$0x10200] =	vst v63  }
0x3f: {  	_ =	swait.ge [sflag:s3], $0x200  }
0x40: {  	[sflag:s3] =	ssyncset.done $0x0  }
0x41: {  	[sflag:s3] =	ssyncadd.s32 $0xFFFFFE00  }
0x42: {  	[tilespmem:s7], [sflag:$0x1] =	stream.indirect.gather [hbm4b:s5+s6], $0x80, s2, s6, $0xb8;
	[tilespmem:$0x10200] =	vst v63  }
0x43: {  	_ = 	snop  }
0x44: {  	[tilespmem:s8], [sflag:$0x1] =	stream.indirect.gather [hbm4b:s5+s6], $0x80, s6, s6, $0xb8;
	[tilespmem:$0x10200] =	vst v63  }
0x45: {  	_ = 	snop  }
0x46: {  	[tilespmem:s10], [sflag:$0x1] =	stream.indirect.gather [hbm4b:s5+s6], $0x80, s9, s6, $0xb8;
	[tilespmem:$0x10200] =	vst v63  }
0x47: {  	_ = 	snop  }
0x48: {  	[tilespmem:s12], [sflag:$0x1] =	stream.indirect.gather [hbm4b:s5+s6], $0x80, s11, s6, $0xb8;
	[tilespmem:$0x10200] =	vst v63  }
0x49: {  	_ =	swait.ge [sflag:s13], $0x4000  }
0x4a: {  	[sflag:s13] =	ssyncset.done $0x0  }
0x4b: {  	[sflag:s13] =	ssyncadd.s32 $0xFFFFC000  }
0x4c: {  	_ =	swait.ge [sflag:s13], $0x4000  }
0x4d: {  	[sflag:s13] =	ssyncset.done $0x0  }
0x4e: {  	[sflag:s13] =	ssyncadd.s32 $0xFFFFC000  }
0x4f: {  	_ =	swait.ge [sflag:s13], $0x4000  }
0x50: {  	[sflag:s13] =	ssyncset.done $0x0  }
0x51: {  	[sflag:s13] =	ssyncadd.s32 $0xFFFFC000  }
0x52: {  	_ =	swait.ge [sflag:s13], $0x4000  }
0x53: {  	[sflag:s13] =	ssyncset.done $0x0  }
0x54: {  	[sflag:s13] =	ssyncadd.s32 $0xFFFFC000  }
0x55: {  	[hbm4b:s14+s2] =	stream.linear.scatter [tilespmem:s7], [sflag:$0x2], $0x10000, $0x38;
	[tilespmem:$0x10200] =	vst v63  }
0x56: {  	_ =	swait.ge [sflag:s3], $0x10000  }
0x57: {  	[sflag:s3] =	ssyncset.done $0x0  }
0x58: {  	[sflag:s3] =	ssyncadd.s32 $0xFFFF0000  }
0x59: {  	[tilespmem:s2], [sflag:$0x2] =	stream.linear.gather [hbm4b:s15+s2], $0x200, $0x38;
	[tilespmem:$0x10200] =	vst v63  }
0x5a: {  	_ =	swait.ge [sflag:s3], $0x200  }
0x5b: {  	[sflag:s3] =	ssyncset.done $0x0  }
0x5c: {  	[sflag:s3] =	ssyncadd.s32 $0xFFFFFE00  }
0x5d: {  	[tilespmem:s7], [sflag:$0x1] =	stream.indirect.gather [hbm4b:s16+s6], $0x80, s2, s6, $0xb8;
	[tilespmem:$0x10200] =	vst v63  }
0x5e: {  	_ = 	snop  }
0x5f: {  	[tilespmem:s8], [sflag:$0x1] =	stream.indirect.gather [hbm4b:s16+s6], $0x80, s6, s6, $0xb8;
	[tilespmem:$0x10200] =	vst v63  }
0x60: {  	_ = 	snop  }
0x61: {  	[tilespmem:s10], [sflag:$0x1] =	stream.indirect.gather [hbm4b:s16+s6], $0x80, s9, s6, $0xb8;
	[tilespmem:$0x10200] =	vst v63  }
0x62: {  	_ = 	snop  }
0x63: {  	[tilespmem:s12], [sflag:$0x1] =	stream.indirect.gather [hbm4b:s16+s6], $0x80, s11, s6, $0xb8;
	[tilespmem:$0x10200] =	vst v63  }
0x64: {  	_ =	swait.ge [sflag:s13], $0x4000  }
0x65: {  	[sflag:s13] =	ssyncset.done $0x0  }
0x66: {  	[sflag:s13] =	ssyncadd.s32 $0xFFFFC000  }
0x67: {  	_ =	swait.ge [sflag:s13], $0x4000  }
0x68: {  	[sflag:s13] =	ssyncset.done $0x0  }
0x69: {  	[sflag:s13] =	ssyncadd.s32 $0xFFFFC000  }
0x6a: {  	_ =	swait.ge [sflag:s13], $0x4000  }
0x6b: {  	[sflag:s13] =	ssyncset.done $0x0  }
0x6c: {  	[sflag:s13] =	ssyncadd.s32 $0xFFFFC000  }
0x6d: {  	_ =	swait.ge [sflag:s13], $0x4000  }
.Ltmp1:
0x6e: {  	[sflag:s13] =	ssyncset.done $0x0;
	(pc) =	sbr.rel @p0 .LBB2_1-.Ltmp1, $4  }
0x6f: {  	[sflag:s13] =	ssyncadd.s32 $0xFFFFC000  }
0x70: {  	[hbm4b:s17+s2] =	stream.linear.scatter [tilespmem:s7], [sflag:$0x2], $0x10000, $0x38;
	[tilespmem:$0x10200] =	vst v63  }
0x71: {  	_ =	swait.ge [sflag:s3], $0x10000  }
0x72: {  	[sflag:s3] =	ssyncset.done $0x0  }
.LBB2_2:
0x73: {  	[sflag:s3] =	ssyncadd.s32 $0xFFFF0000  }
0x74: {  	_ =	sfence.sel $0x180000  }
0x75: {  	[bflag:$0x0] =	sbarrier.arrive $0xFFFF  }
0x76: {  	p0 =	sne.s32 s0, $0x0;
	_ =	strace $0x90000047  }
0x77: {  	s0 =	sadd.s32 @!p0 $0x100000, s1;
	[bflag:$0x2] =	sbarrier.arrive $0xFFFF  }
0x78: {  	[sflag:s0] =	ssyncadd.tile.s32 @!p0 $0x1;
	_ =	shalt  }
.Lfunc_end2:
_tile_overlayer_lowered:
.L_overlay_start_2:
0x79: {  	(tag) =	ssettag $0x2  }
0x7a: {  	s0 =	rddreg [dreg:$0x0];
	s2 =	stileid.u32  }
0x7b: {  	s1 =	rddreg [dreg:$0x1];
	p0 =	sne.s32 s2, $0x0  }
0x7c: {  	s3 =	rddreg [dreg:$0x2];
	[bflag:$0x3] =	sbarrier.arrive $0xFFFF;
	s2 =	simm.s32 @!p0 $0x1C02  }
0x7d: {  	[timem:s3], [sflag:s2] =	dma.local @!p0 [hbm:s0], s1  }
0x7e: {  	s0 =	simm.s32 @!p0 $0x2  }
0x7f: {  	_ =	swait.ge @!p0 [sflag:s0], s1  }
0x80: {  	s1 =	ssub.s32 @!p0 $0x0, s1;
	[sflag:s0] =	ssyncset.done @!p0 $0x0  }
0x81: {  	[sflag:s0] =	ssyncadd.s32 @!p0 s1  }
0x82: {  	[bflag:$0x3] =	sbarrier.arrive $0xFFFF  }
0x83: {  	_ =	shalt  }

</sc_bundles>
